<compile_context>
chip_gen: v7x
topology: tpu7x:2x2x1
jax: 0.10.2.dev20260603
libtpu: 0.0.44.dev20260713+nightly
codegen_flags: <defaults>
</compile_context>

<pallas_src>
import functools
import math

import numpy as np

import jax
import jax.numpy as jnp
from jax.experimental import pallas as pl
from jax.experimental.pallas import tpu as pltpu
from jax.experimental.pallas import tpu_sc as plsc

_K = 2
_NUM_EXPERTS = 64
_NUM_BINS = 10
_EXP_BASE = 2.0
_ALIGNMENT = 64


def _bin_edges(total_tokens):
    start = np.float32(math.ceil(total_tokens / _NUM_EXPERTS))
    stop = np.float32(total_tokens)
    widths = np.power(np.float32(_EXP_BASE),
                      np.arange(0, _NUM_BINS, dtype=np.float32),
                      dtype=np.float32)
    normalized = (widths / np.sum(widths)).astype(np.float32)
    edges = np.cumsum(normalized, dtype=np.float32)
    edges = (start + (stop - start) * edges).astype(np.float32)
    return (np.ceil(edges / _ALIGNMENT) * _ALIGNMENT).astype(np.int32)


def _make_bucketize(bins):
    edges = [int(v) for v in bins]

    def _search(cap, lo, hi):
        if lo == hi:
            return jnp.int32(edges[lo])
        mid = (lo + hi) // 2
        return jnp.where(jnp.int32(edges[mid]) >= cap,
                         _search(cap, lo, mid), _search(cap, mid + 1, hi))

    @functools.partial(
        pl.kernel,
        out_type=jax.ShapeDtypeStruct((1,), jnp.int32),
        mesh=plsc.ScalarSubcoreMesh(axis_name="c", num_cores=1),
        scratch_types=[pltpu.SMEM((1,), jnp.int32)],
    )
    def _bucketize_sc(cap_hbm, out_hbm, cap_s):
        pltpu.sync_copy(cap_hbm, cap_s)
        cap_s[0] = _search(cap_s[0], 0, _NUM_BINS - 1)
        pltpu.sync_copy(cap_s, out_hbm)

    return _bucketize_sc


def kernel(gate_output, capacity):
    total_tokens = _K * gate_output.shape[0]
    return _make_bucketize(_bin_edges(total_tokens))(capacity.astype(jnp.int32))

# --- scband reference (transcript-rebuilt; emitter-appended) ---
"""Pipeline reference for scband-capacity-bins-77936476553931 (READ-ONLY COPY).

The authoritative reference and input builder live on the scoring server;
editing this copy changes nothing except your own understanding.
"""

import jax, jax.numpy as jnp
import numpy as np
import math

K = 2
NUM_EXPERTS = 64
NUM_BINS = 10
EXP_BASE = 2.0
ALIGNMENT = 64
TOKENS = 32768


def setup_inputs(seed: int = 0) -> dict:
    key = jax.random.key(seed)
    k1, k2 = jax.random.split(key)
    gate_output = jax.random.normal(k1, (TOKENS, NUM_EXPERTS), dtype=jnp.float32)
    capacity = jax.random.randint(k2, (1,), 0, 65536, dtype=jnp.int32)
    return {"gate_output": gate_output, "capacity": capacity}


def _generate_bins(total_tokens):
    # min range: optimal (even) routing; max range: all tokens to one expert
    start = float(math.ceil(total_tokens / NUM_EXPERTS))
    stop = float(total_tokens)
    bin_widths = jnp.power(jnp.float32(EXP_BASE), jnp.arange(0, NUM_BINS, dtype=jnp.float32))
    normalized_bin_widths = bin_widths / jnp.sum(bin_widths)
    bin_edges = jnp.cumsum(normalized_bin_widths, axis=0)
    bin_edges = start + (stop - start) * bin_edges
    bin_edges = (jnp.ceil(bin_edges / ALIGNMENT) * ALIGNMENT).astype(jnp.int32)
    return bin_edges


def reference(gate_output, capacity):
    total_tokens = K * gate_output.shape[0]
    bins = _generate_bins(total_tokens)
    index = jnp.searchsorted(bins, capacity, side='left')
    index = jnp.minimum(index, NUM_BINS - 1)
    return bins[index]

if __name__ == "__main__":
    import jax
    _d = setup_inputs()
    print(jax.jit(kernel)(*tuple(_d.values())))

</pallas_src>

<mosaic_0001>
#map = affine_map<(d0) -> (0)>
module attributes {stable_mosaic.version = 14 : i64} {
  func.func @_bucketize_sc(%arg0: i32, %arg1: memref<1xi32, #tpu.memory_space<hbm>>, %arg2: memref<1xi32, #tpu.memory_space<hbm>>, %arg3: memref<1xi32, #tpu.memory_space<smem>>) attributes {dimension_semantics = [#tpu.dimension_semantics<core_parallel>], iteration_bounds = array<i64: 1>, scalar_prefetch = 0 : i64, scratch_operands = 1 : i64, tpu.core_type = #tpu.core_type<sc_scalar_subcore>, window_params = [{transform_indices = #map}, {transform_indices = #map}]} {
    "tpu.region"() ({
      %run_scoped3A = tpu.sem_alloc : memref<!tpu.dma_semaphore, #tpu.memory_space<semaphore_mem>>
      tpu.enqueue_dma source(%arg1 : memref<1xi32, #tpu.memory_space<hbm>>) target(%arg3 : memref<1xi32, #tpu.memory_space<smem>>) target_semaphore(%run_scoped3A : memref<!tpu.dma_semaphore, #tpu.memory_space<semaphore_mem>>)
      tpu.wait_dma2 semaphore(%run_scoped3A : memref<!tpu.dma_semaphore, #tpu.memory_space<semaphore_mem>>) src(%arg1 : memref<1xi32, #tpu.memory_space<hbm>>) dst(%arg3 : memref<1xi32, #tpu.memory_space<smem>>)
      tpu.yield
    }) : () -> ()
    %get3A = arith.constant 0 : i32
    %get3A_0 = arith.index_cast %get3A : i32 to index
    %get3A_1 = memref.load %arg3[%get3A_0] : memref<1xi32, #tpu.memory_space<smem>>
    %ge3A = arith.constant 3008 : i32
    %ge3A_2 = arith.cmpi sge, %ge3A, %get3A_1 : i32
    %ge3A_3 = arith.constant 1472 : i32
    %ge3A_4 = arith.cmpi sge, %ge3A_3, %get3A_1 : i32
    %ge3A_5 = arith.constant 1216 : i32
    %ge3A_6 = arith.cmpi sge, %ge3A_5, %get3A_1 : i32
    %ge3A_7 = arith.constant 1088 : i32
    %ge3A_8 = arith.cmpi sge, %ge3A_7, %get3A_1 : i32
    %jit3A = arith.constant 1088 : i32
    %jit3A_9 = arith.constant 1216 : i32
    %select_n3A = arith.select %ge3A_8, %jit3A, %jit3A_9 : i32
    %jit3A_10 = arith.constant 1472 : i32
    %select_n3A_11 = arith.select %ge3A_6, %select_n3A, %jit3A_10 : i32
    %ge3A_12 = arith.constant 1984 : i32
    %ge3A_13 = arith.cmpi sge, %ge3A_12, %get3A_1 : i32
    %jit3A_14 = arith.constant 1984 : i32
    %jit3A_15 = arith.constant 3008 : i32
    %select_n3A_16 = arith.select %ge3A_13, %jit3A_14, %jit3A_15 : i32
    %select_n3A_17 = arith.select %ge3A_4, %select_n3A_11, %select_n3A_16 : i32
    %ge3A_18 = arith.constant 17152 : i32
    %ge3A_19 = arith.cmpi sge, %ge3A_18, %get3A_1 : i32
    %ge3A_20 = arith.constant 9088 : i32
    %ge3A_21 = arith.cmpi sge, %ge3A_20, %get3A_1 : i32
    %ge3A_22 = arith.constant 5056 : i32
    %ge3A_23 = arith.cmpi sge, %ge3A_22, %get3A_1 : i32
    %jit3A_24 = arith.constant 5056 : i32
    %jit3A_25 = arith.constant 9088 : i32
    %select_n3A_26 = arith.select %ge3A_23, %jit3A_24, %jit3A_25 : i32
    %jit3A_27 = arith.constant 17152 : i32
    %select_n3A_28 = arith.select %ge3A_21, %select_n3A_26, %jit3A_27 : i32
    %ge3A_29 = arith.constant 33280 : i32
    %ge3A_30 = arith.cmpi sge, %ge3A_29, %get3A_1 : i32
    %jit3A_31 = arith.constant 33280 : i32
    %jit3A_32 = arith.constant 65536 : i32
    %select_n3A_33 = arith.select %ge3A_30, %jit3A_31, %jit3A_32 : i32
    %select_n3A_34 = arith.select %ge3A_19, %select_n3A_28, %select_n3A_33 : i32
    %select_n3A_35 = arith.select %ge3A_2, %select_n3A_17, %select_n3A_34 : i32
    %swap3A = arith.constant 0 : i32
    %swap3A_36 = arith.index_cast %swap3A : i32 to index
    %swap3A_37 = memref.load %arg3[%swap3A_36] : memref<1xi32, #tpu.memory_space<smem>>
    memref.store %select_n3A_35, %arg3[%swap3A_36] : memref<1xi32, #tpu.memory_space<smem>>
    "tpu.region"() ({
      %run_scoped3A = tpu.sem_alloc : memref<!tpu.dma_semaphore, #tpu.memory_space<semaphore_mem>>
      tpu.enqueue_dma source(%arg3 : memref<1xi32, #tpu.memory_space<smem>>) target(%arg2 : memref<1xi32, #tpu.memory_space<hbm>>) target_semaphore(%run_scoped3A : memref<!tpu.dma_semaphore, #tpu.memory_space<semaphore_mem>>)
      tpu.wait_dma2 semaphore(%run_scoped3A : memref<!tpu.dma_semaphore, #tpu.memory_space<semaphore_mem>>) src(%arg3 : memref<1xi32, #tpu.memory_space<smem>>) dst(%arg2 : memref<1xi32, #tpu.memory_space<hbm>>)
      tpu.yield
    }) : () -> ()
    return
  }
}

</mosaic_0001>

<sc_bundles>
// kernel: kernel.3.cloned.1.call-start
scs
__scs_entry_jumppad:
0x0: {  	(pc) =	sbr.rel $0x88, $3  }
0x1: {  	(tag) =	ssettag $0x0;
	lr =	simm.s32 $0x1  }
0x2: {  	[smem:$0x3FA0] =	sst lr;
	_ =	strace $0xD0000000  }
0x3: {  	_ = 	snop  }
0x4: {  	_ = 	snop  }
0x5: {  	_ = 	snop  }
0x6: {  	_ = 	snop  }
0x7: {  	_ = 	snop  }
__scs_overlays_trampoline_lowered:
0x8: {  	[smem:$0x3FAF] =	sst s0  }
0x9: {  	[smem:$0x3FB0] =	sst s1  }
0xa: {  	[smem:$0x3FB1] =	sst s2  }
0xb: {  	[smem:$0x3FB2] =	sst s3  }
0xc: {  	[smem:$0x3FB3] =	sst s4  }
0xd: {  	[smem:$0x3FB4] =	sst s5  }
0xe: {  	[smem:$0x3FB5] =	sst s6  }
0xf: {  	[smem:$0x3FB6] =	sst s7  }
0x10: {  	[smem:$0x3FB7] =	sst s8  }
0x11: {  	[smem:$0x3FB8] =	sst s9;
	s0 =	simm.s32 @!p0 $0x0  }
0x12: {  	s1 =	sld [smem:$0x3F9E];
	s0 =	simm.s32 @p0 $0x1  }
0x13: {  	[smem:$0x3FB9] =	sst s0;
	s0 =	simm.s32 @!p1 $0x0  }
0x14: {  	s2 =	sld [smem:$0x3F9D];
	s0 =	simm.s32 @p1 $0x1  }
0x15: {  	[smem:$0x3FBA] =	sst s0;
	s0 =	simm.s32 @!p2 $0x0  }
0x16: {  	s3 =	sld [smem:$0x3FDB];
	s0 =	simm.s32 @p2 $0x1  }
0x17: {  	s4 =	simm.s32 $0x1BF5;
	[smem:$0x3FBC] =	sst s0  }
0x18: {  	s0 =	sld [smem:$0x3F9F];
	_ =	swait.ge [sflag:s4], $0x0  }
0x19: {  	s7 =	sld [smem:$0x3FA0]  }
0x1a: {  	s8 =	sadd.s32 $0xFFFFE003, lr  }
0x1b: {  	s9 =	sadd.s32 $0xFFFFFEF7, lr;
	s5 =	simm.s32 $0xFFFFFFFF;
	p2 =	slt.u32 s8, $0xFFFFF086  }
0x1c: {  	p1 =	slt.u32 s9, $0xF7A;
	s5 =	simm.s32 @!p2 $0x0  }
0x1d: {  	s5 =	simm.s32 @p1 $0x1;
	p0 =	seq.s32 s7, s2  }
0x1e: {  	s7 =	smul.u32 @!p0 $0xF7A, s2;
	p2 =	seq.s32 @!p0 s5, $0x0  }
0x1f: {  	s9 =	smul.u32 $0xF7A, s1;
	s8 =	simm.s32 @!p0 $0x1BF5;
	p2 =	por !p2, p0  }
0x20: {  	[sflag:s8] =	ssyncset.s32 @!p0 $0xFFFFF086;
	s6 =	sadd.s32 @!p0 s3, s7;
	s7 =	simm.s32 @!p0 $0x108  }
0x21: {  	s3 =	sadd.s32 s3, s9;
	s6 =	sadd.s32 @!p0 $0x88, s6;
	s7 =	simm.s32 @p2 $0x1082  }
0x22: {  	[simem:s7], [sflag:s8] =	dma.local @!p0 [hbm:s6], $0xF7A  }
0x23: {  	s9 =	sor.u32 $0xD0000000, s2;
	s6 =	simm.s32 $0x108;
	_ =	swait.ge @!p0 [sflag:s8], $0x0  }
0x24: {  	s3 =	sadd.s32 $0x88, s3;
	s6 =	simm.s32 @!p1 $0x1082;
	[sflag:s4] =	ssyncset.s32 $0xFFFFF086  }
0x25: {  	[simem:s6], [sflag:s4] =	dma.local [hbm:s3], $0xF7A  }
0x26: {  	[smem:$0x3FA0] =	sst s1;
	(tag) =	ssettag s2;
	_ =	strace s9  }
0x27: {  	s1 =	sld [smem:$0x3FB0]  }
0x28: {  	s2 =	sld [smem:$0x3FB1]  }
0x29: {  	s4 =	sld [smem:$0x3FB3]  }
0x2a: {  	p0 =	seq.s32 s5, $0x0;
	s5 =	sld [smem:$0x3FB4]  }
0x2b: {  	s6 =	sld [smem:$0x3FB5]  }
0x2c: {  	s7 =	sld [smem:$0x3FB6]  }
0x2d: {  	s3 =	simm.s32 $0x108;
	s8 =	sld [smem:$0x3FB7]  }
0x2e: {  	s3 =	simm.s32 @!p0 $0x1082;
	s9 =	sld [smem:$0x3FB8]  }
0x2f: {  	lr =	sadd.s32 s0, s3;
	s0 =	sld [smem:$0x3FAF]  }
0x30: {  	s3 =	sld [smem:$0x3FB2]  }
0x31: {  	[smem:$0x3FBB] =	sst s10  }
0x32: {  	s10 =	sld [smem:$0x3FB9];
	_ =	sdelay $0x3  }
0x33: {  	p0 =	seq.s32 s10, $0x1;
	s10 =	sld [smem:$0x3FBB];
	_ =	sdelay $0x3  }
0x34: {  	[smem:$0x3FBB] =	sst s10  }
0x35: {  	s10 =	sld [smem:$0x3FBA];
	_ =	sdelay $0x3  }
0x36: {  	p1 =	seq.s32 s10, $0x1;
	s10 =	sld [smem:$0x3FBB];
	_ =	sdelay $0x3  }
0x37: {  	[smem:$0x3FBB] =	sst s10  }
0x38: {  	s10 =	sld [smem:$0x3FBC]  }
0x39: {  	_ = 	snop;
	(pc) =	sbr.ind lr, $3  }
0x3a: {  	_ = 	snop  }
0x3b: {  	_ = 	snop  }
0x3c: {  	p2 =	seq.s32 s10, $0x1;
	s10 =	sld [smem:$0x3FBB]  }
0x3d: {  	_ =	shalt  }
0x3e: {  	_ =	shalt  }
0x3f: {  	_ =	shalt  }
0x40: {  	_ =	shalt  }
0x41: {  	_ =	shalt  }
0x42: {  	_ =	shalt  }
0x43: {  	_ =	shalt  }
0x44: {  	_ =	shalt  }
0x45: {  	_ =	shalt  }
0x46: {  	_ =	shalt  }
0x47: {  	_ =	shalt  }
0x48: {  	_ =	shalt  }
0x49: {  	_ =	shalt  }
0x4a: {  	_ =	shalt  }
0x4b: {  	_ =	shalt  }
0x4c: {  	_ =	shalt  }
0x4d: {  	_ =	shalt  }
0x4e: {  	_ =	shalt  }
0x4f: {  	_ =	shalt  }
0x50: {  	_ =	shalt  }
0x51: {  	_ =	shalt  }
0x52: {  	_ =	shalt  }
0x53: {  	_ =	shalt  }
0x54: {  	_ =	shalt  }
0x55: {  	_ =	shalt  }
0x56: {  	_ =	shalt  }
0x57: {  	_ =	shalt  }
0x58: {  	_ =	shalt  }
0x59: {  	_ =	shalt  }
0x5a: {  	_ =	shalt  }
0x5b: {  	_ =	shalt  }
0x5c: {  	_ =	shalt  }
0x5d: {  	_ =	shalt  }
0x5e: {  	_ =	shalt  }
0x5f: {  	_ =	shalt  }
0x60: {  	_ =	shalt  }
0x61: {  	_ =	shalt  }
0x62: {  	_ =	shalt  }
0x63: {  	_ =	shalt  }
0x64: {  	_ =	shalt  }
0x65: {  	_ =	shalt  }
0x66: {  	_ =	shalt  }
0x67: {  	_ =	shalt  }
0x68: {  	_ =	shalt  }
0x69: {  	_ =	shalt  }
0x6a: {  	_ =	shalt  }
0x6b: {  	_ =	shalt  }
0x6c: {  	_ =	shalt  }
0x6d: {  	_ =	shalt  }
0x6e: {  	_ =	shalt  }
0x6f: {  	_ =	shalt  }
0x70: {  	_ =	shalt  }
0x71: {  	_ =	shalt  }
0x72: {  	_ =	shalt  }
0x73: {  	_ =	shalt  }
0x74: {  	_ =	shalt  }
0x75: {  	_ =	shalt  }
0x76: {  	_ =	shalt  }
0x77: {  	_ =	shalt  }
0x78: {  	_ =	shalt  }
0x79: {  	_ =	shalt  }
0x7a: {  	_ =	shalt  }
0x7b: {  	_ =	shalt  }
0x7c: {  	_ =	shalt  }
0x7d: {  	_ =	shalt  }
0x7e: {  	_ =	shalt  }
0x7f: {  	_ =	shalt  }
0x80: {  	_ =	shalt  }
0x81: {  	_ =	shalt  }
0x82: {  	_ =	shalt  }
0x83: {  	_ =	shalt  }
0x84: {  	_ =	shalt  }
0x85: {  	_ =	shalt  }
0x86: {  	_ =	shalt  }
0x87: {  	_ =	shalt  }
.Lfunc_end0:
.L_simem_size_0:
called_computation_lowered:
.L_overlay_start_0:
0x88: {  	s0 =	sld [smem:$0x3FD9]  }
0x89: {  	s1 =	sld [smem:$0x3FFE];
	_ =	sdelay $0x3  }
0x8a: {  	s0 =	sadd.s32 s1, s0  }
0x8b: {  	[smem:$0x3FC7] =	sst s0  }
0x8c: {  	_ = 	snop  }
0x8d: {  	s0 =	sld [smem:$0x3FC9]  }
0x8e: {  	s22 =	sld [smem:$0x3FD0];
	(tm) =	ssettm $0x1  }
0x8f: {  	s2 =	sld [smem:$0x3FFB];
	_ =	sdelay $0x3  }
0x90: {  	_ =	strace s2  }
0x91: {  	s2 =	sld [smem:$0x3FFC];
	_ =	sdelay $0x3  }
0x92: {  	_ =	strace s2  }
0x93: {  	s2 =	sld [smem:$0x3FFD];
	_ =	sdelay $0x3  }
0x94: {  	_ =	strace s2  }
0x95: {  	s23 =	simm.s32 $0x1B8B;
	_ =	strace $0x8FFFFFFF  }
0x96: {  	_ =	swait.ge [sflag:s23], $0x1  }
0x97: {  	[sflag:s23] =	ssyncset.done $0x0  }
0x98: {  	s24 =	simm.s32 $0x1B8E;
	[sflag:s23] =	ssyncadd.s32 $0xFFFFFFFF  }
0x99: {  	[smem:$0x3FD2] =	sst s24  }
0x9a: {  	s25 =	simm.s32 $0x9;
	s3 =	simm.s32 $0x10;
	_ =	strace $0x80000046  }
0x9b: {  	[smem:s3], [sflag:s25] =	dma.local [hbm:s0], $0x10  }
0x9c: {  	_ =	swait.ge [sflag:s25], $0x10  }
0x9d: {  	[sflag:s25] =	ssyncset.done $0x0  }
0x9e: {  	[sflag:s25] =	ssyncadd.s32 $0xFFFFFFF0  }
0x9f: {  	s26 =	sld [smem:$0x10];
	_ =	sdelay $0x2  }
0xa0: {  	s4 =	simm.s32 $0x4C0;
	s5 =	simm.s32 $0xBC0;
	s6 =	simm.s32 $0x2380  }
0xa1: {  	s7 =	simm.s32 $0x10000;
	p0 =	slt.s32 s26, $0x4C1;
	p1 =	sgt.s32 s26, $0x440  }
0xa2: {  	p2 =	slt.s32 s26, $0x5C1;
	s4 =	simm.s32 @!p1 $0x440;
	p1 =	sgt.s32 s26, $0x7C0  }
0xa3: {  	s4 =	simm.s32 @!p0 $0x5C0;
	s5 =	simm.s32 @!p1 $0x7C0;
	p1 =	sgt.s32 s26, $0x13C0  }
0xa4: {  	p0 =	slt.s32 s26, $0x2381;
	s6 =	simm.s32 @!p1 $0x13C0;
	p1 =	sgt.s32 s26, $0x8200  }
0xa5: {  	p3 =	slt.s32 s26, $0x4301;
	s6 =	simm.s32 @!p0 $0x4300;
	s7 =	simm.s32 @!p1 $0x8200  }
0xa6: {  	s5 =	smov.u32 @p2 s4;
	p0 =	slt.s32 s26, $0xBC1;
	s7 =	smov.u32 @p3 s6  }
0xa7: {  	s7 =	smov.u32 @p0 s5  }
0xa8: {  	[smem:$0x10] =	sst s7  }
0xa9: {  	[hbm:s22], [sflag:s25] =	dma.local [smem:s3], $0x10  }
0xaa: {  	_ =	swait.ge [sflag:s25], $0x10  }
0xab: {  	[sflag:s25] =	ssyncset.done $0x0  }
0xac: {  	[sflag:s25] =	ssyncadd.s32 $0xFFFFFFF0  }
0xad: {  	_ =	strace $0x90000046  }
0xae: {  	_ =	sfence  }
0xaf: {  	s28 =	sld [smem:$0x0];
	_ =	sdelay $0x1  }
0xb0: {  	s29 =	srdreg.scid  }
0xb1: {  	s30 =	sshll.u32 s29, $0xD;
	s31 =	sshrl.u32 s29, $0x2  }
0xb2: {  	s1 =	sand.u32 $0x1, s29;
	s2 =	sand.u32 $0x4000, s30;
	s0 =	sadd.s32 s31, s28  }
0xb3: {  	s1 =	sor.u32 s2, s1;
	s0 =	sshll.u32 s0, $0x11  }
0xb4: {  	s0 =	sor.u32 s0, s1  }
0xb5: {  	s0 =	sadd.s32 $0x8F2B, s0;
	(pc) =	sbr.abs _section_cstart, $3  }
0xb6: {  	[sflag:s0] =	ssyncadd.remote.s32 $0x1  }
0xb7: {  	_ =	strace $0x9FFFFFFF  }
0xb8: {  	(tm) =	ssettm $0x7FFFFFFF  }
0xb9: {  	_ =	shalt  }

</sc_bundles>
